<compile_context>
chip_gen: v7x
topology: tpu7x:2x2x1
jax: 0.10.2.dev20260603
libtpu: 0.0.44.dev20260713+nightly
codegen_flags: <defaults>
</compile_context>

<pallas_src>
import functools

import jax
import jax.numpy as jnp
from jax import lax
from jax.experimental import pallas as pl
from jax.experimental.pallas import tpu as pltpu
from jax.experimental.pallas import tpu_sc as plsc

VOCAB_N = 100000
EMBED_N = 128
UNITS_N = 1024
BATCH_N = 64
BLK = 4096
NBLK = (VOCAB_N + BLK - 1) // BLK

_SC_WORKERS = 8
_ROWS_PER_W = BATCH_N // _SC_WORKERS


def _gather_rows_sc(embedding, input_ids):
    mesh = plsc.VectorSubcoreMesh(core_axis_name="c", subcore_axis_name="s")

    @functools.partial(
        pl.kernel,
        mesh=mesh,
        out_type=jax.ShapeDtypeStruct((BATCH_N, EMBED_N), jnp.float32),
        scratch_types=[
            pltpu.VMEM((_ROWS_PER_W,), jnp.int32),
            pltpu.VMEM((_ROWS_PER_W, EMBED_N), jnp.float32),
            pltpu.SemaphoreType.DMA,
        ],
    )
    def k(table_hbm, idx_hbm, out_hbm, idx_v, rows_v, sem):
        wid = lax.axis_index("s") * 2 + lax.axis_index("c")

        @pl.when(wid < _SC_WORKERS)
        def _():
            base = wid * _ROWS_PER_W
            pltpu.sync_copy(idx_hbm.at[pl.ds(base, _ROWS_PER_W)], idx_v)
            pltpu.async_copy(table_hbm.at[idx_v], rows_v, sem).wait()
            pltpu.sync_copy(rows_v, out_hbm.at[pl.ds(base, _ROWS_PER_W)])

    return k(embedding, input_ids)


def _gru_sample_body(x_ref, h0_ref, w_ref, u_ref, b_ref, wdt_ref, bd_ref,
                     g_ref, ids_ref, h_ref, hscr, bv, bi):
    pid = pl.program_id(0)

    @pl.when(pid == 0)
    def _():
        gx = jnp.dot(x_ref[...], w_ref[...],
                     preferred_element_type=jnp.float32) + b_ref[...]
        gh = jnp.dot(h0_ref[...], u_ref[...],
                     preferred_element_type=jnp.float32)
        z = jax.nn.sigmoid(gx[:, :UNITS_N] + gh[:, :UNITS_N])
        r = jax.nn.sigmoid(gx[:, UNITS_N:2 * UNITS_N]
                           + gh[:, UNITS_N:2 * UNITS_N])
        hh = jnp.tanh(gx[:, 2 * UNITS_N:] + r * gh[:, 2 * UNITS_N:])
        h = z * h0_ref[...] + (1.0 - z) * hh
        hscr[...] = h
        h_ref[...] = h
        bv[...] = jnp.full((BATCH_N, 1), -jnp.inf, jnp.float32)
        bi[...] = jnp.zeros((BATCH_N, 1), jnp.int32)

    logits = lax.dot_general(hscr[...], wdt_ref[...],
                             (((1,), (1,)), ((), ())),
                             preferred_element_type=jnp.float32)
    logits = logits + bd_ref[...] + g_ref[...]
    col = lax.broadcasted_iota(jnp.int32, (BATCH_N, BLK), 1) + pid * BLK
    logits = jnp.where(col < VOCAB_N, logits, -jnp.inf)
    m = jnp.max(logits, axis=1, keepdims=True)
    idx = jnp.min(jnp.where(logits == m, col, VOCAB_N), axis=1, keepdims=True)
    take = m > bv[...]
    new_v = jnp.where(take, m, bv[...])
    new_i = jnp.where(take, idx, bi[...])
    bv[...] = new_v
    bi[...] = new_i

    @pl.when(pid == NBLK - 1)
    def _():
        ids_ref[...] = new_i


def _gru_and_sample_tc(x, states, W, U, b, WdT, bd, gumbel):
    ids2d, h_new = pl.pallas_call(
        _gru_sample_body,
        grid=(NBLK,),
        in_specs=[
            pl.BlockSpec((BATCH_N, EMBED_N), lambda i: (0, 0)),
            pl.BlockSpec((BATCH_N, UNITS_N), lambda i: (0, 0)),
            pl.BlockSpec((EMBED_N, 3 * UNITS_N), lambda i: (0, 0)),
            pl.BlockSpec((UNITS_N, 3 * UNITS_N), lambda i: (0, 0)),
            pl.BlockSpec((1, 3 * UNITS_N), lambda i: (0, 0)),
            pl.BlockSpec((BLK, UNITS_N), lambda i: (i, 0)),
            pl.BlockSpec((1, BLK), lambda i: (0, i)),
            pl.BlockSpec((BATCH_N, BLK), lambda i: (0, i)),
        ],
        out_specs=[
            pl.BlockSpec((BATCH_N, 1), lambda i: (0, 0)),
            pl.BlockSpec((BATCH_N, UNITS_N), lambda i: (0, 0)),
        ],
        out_shape=[
            jax.ShapeDtypeStruct((BATCH_N, 1), jnp.int32),
            jax.ShapeDtypeStruct((BATCH_N, UNITS_N), jnp.float32),
        ],
        scratch_shapes=[
            pltpu.VMEM((BATCH_N, UNITS_N), jnp.float32),
            pltpu.VMEM((BATCH_N, 1), jnp.float32),
            pltpu.VMEM((BATCH_N, 1), jnp.int32),
        ],
        compiler_params=pltpu.CompilerParams(
            vmem_limit_bytes=100 * 1024 * 1024,
        ),
    )(x, states, W, U, b.reshape(1, -1), WdT, bd.reshape(1, -1), gumbel)
    return ids2d.reshape(BATCH_N), h_new


def kernel(input_ids, states, embedding, W, U, b, Wd, bd):
    x = _gather_rows_sc(embedding, input_ids)
    gumbel = jax.random.gumbel(jax.random.key(42), (BATCH_N, VOCAB_N),
                               jnp.float32)
    predicted_ids, h_new = _gru_and_sample_tc(x, states, W, U, b, Wd.T, bd,
                                              gumbel)
    return predicted_ids, h_new

# --- scband reference (transcript-rebuilt; emitter-appended) ---
"""Pipeline reference for scband-one-step-57964878627420 (READ-ONLY COPY).

The authoritative reference and input builder live on the scoring server;
editing this copy changes nothing except your own understanding.
"""

import jax, jax.numpy as jnp
import numpy as np

VOCAB = 100000
EMBED = 128
UNITS = 1024
BATCH = 64
TEMP = 1.0


def setup_inputs(seed: int = 0) -> dict:
    key = jax.random.key(seed)
    ks = jax.random.split(key, 8)
    input_ids = jax.random.randint(ks[0], (BATCH,), 0, VOCAB, dtype=jnp.int32)
    states = jax.random.normal(ks[1], (BATCH, UNITS), dtype=jnp.float32) * 0.1
    embedding = jax.random.normal(ks[2], (VOCAB, EMBED), dtype=jnp.float32) * 0.02
    W = jax.random.normal(ks[3], (EMBED, 3 * UNITS), dtype=jnp.float32) * 0.02
    U = jax.random.normal(ks[4], (UNITS, 3 * UNITS), dtype=jnp.float32) * 0.02
    b = jnp.zeros((3 * UNITS,), dtype=jnp.float32)
    Wd = jax.random.normal(ks[5], (UNITS, VOCAB), dtype=jnp.float32) * 0.02
    bd = jnp.zeros((VOCAB,), dtype=jnp.float32)
    return {"input_ids": input_ids, "states": states, "embedding": embedding,
            "W": W, "U": U, "b": b, "Wd": Wd, "bd": bd}


def reference(input_ids, states, embedding, W, U, b, Wd, bd):
    # model: Embedding -> GRU (one step, since input seq len == 1) -> Dense
    x = jnp.take(embedding, input_ids, axis=0)  # [B, EMBED]
    gx = x @ W + b                               # [B, 3*UNITS]
    gh = states @ U                              # [B, 3*UNITS]
    xz, xr, xh = jnp.split(gx, 3, axis=-1)
    hz, hr, hh_part = jnp.split(gh, 3, axis=-1)
    z = jax.nn.sigmoid(xz + hz)
    r = jax.nn.sigmoid(xr + hr)
    hh = jnp.tanh(xh + r * hh_part)
    h_new = z * states + (1.0 - z) * hh          # [B, UNITS] -> new GRU state
    # last-timestep logits (seq len 1, so this is the only timestep)
    predicted_logits = h_new @ Wd + bd           # [B, VOCAB]
    predicted_logits = predicted_logits / TEMP
    # tf.random.categorical(logits, num_samples=1) then squeeze -> [B]
    predicted_ids = jax.random.categorical(jax.random.key(42), predicted_logits, axis=-1)
    return predicted_ids, h_new

if __name__ == "__main__":
    import jax
    _d = setup_inputs()
    print(jax.jit(kernel)(*tuple(_d.values())))

</pallas_src>

<mosaic_0001>
#map = affine_map<(d0, d1) -> (0, 0)>
#map1 = affine_map<(d0, d1) -> (0)>
module attributes {stable_mosaic.version = 14 : i64} {
  func.func @k(%arg0: i32, %arg1: i32, %arg2: memref<100000x128xf32, #tpu.memory_space<hbm>>, %arg3: memref<64xi32, #tpu.memory_space<hbm>>, %arg4: memref<64x128xf32, #tpu.memory_space<hbm>>, %arg5: memref<8xi32, #tpu.memory_space<vmem>>, %arg6: memref<8x128xf32, #tpu.memory_space<vmem>>, %arg7: memref<!tpu.dma_semaphore, #tpu.memory_space<semaphore_mem>>) attributes {dimension_semantics = [#tpu.dimension_semantics<core_parallel>, #tpu.dimension_semantics<subcore_parallel>], iteration_bounds = array<i64: 2, 16>, scalar_prefetch = 0 : i64, scratch_operands = 3 : i64, tpu.core_type = #tpu.core_type<sc_vector_subcore>, window_params = [{transform_indices = #map}, {transform_indices = #map1}, {transform_indices = #map}]} {
    %mul3A = arith.constant 2 : i32
    %mul3A_0 = arith.muli %arg1, %mul3A : i32
    %add3A = arith.addi %mul3A_0, %arg0 : i32
    %lt3A = arith.constant 8 : i32
    %lt3A_1 = arith.cmpi slt, %add3A, %lt3A : i32
    %convert_element_type3A = arith.extui %lt3A_1 : i1 to i32
    %cond3A = arith.constant 0 : i32
    %cond3A_2 = arith.cmpi ne, %convert_element_type3A, %cond3A : i32
    scf.if %cond3A_2 {
      %mul3A_3 = arith.constant 8 : i32
      %mul3A_4 = arith.muli %add3A, %mul3A_3 : i32
      "tpu.region"() ({
        %run_scoped3A = tpu.sem_alloc : memref<!tpu.dma_semaphore, #tpu.memory_space<semaphore_mem>>
        %dma_start3A_9 = tpu.memref_slice %arg3[%mul3A_4] : memref<64xi32, #tpu.memory_space<hbm>> -> memref<8xi32, #tpu.memory_space<hbm>>
        %dma_start3A_10 = tpu.memref_slice %arg3[%mul3A_4] : memref<64xi32, #tpu.memory_space<hbm>> -> memref<8xi32, #tpu.memory_space<hbm>>
        tpu.enqueue_dma source(%dma_start3A_10 : memref<8xi32, #tpu.memory_space<hbm>>) target(%arg5 : memref<8xi32, #tpu.memory_space<vmem>>) target_semaphore(%run_scoped3A : memref<!tpu.dma_semaphore, #tpu.memory_space<semaphore_mem>>)
        %dma_wait3A_11 = tpu.memref_slice %arg3[%mul3A_4] : memref<64xi32, #tpu.memory_space<hbm>> -> memref<8xi32, #tpu.memory_space<hbm>>
        %dma_wait3A_12 = tpu.memref_slice %arg3[%mul3A_4] : memref<64xi32, #tpu.memory_space<hbm>> -> memref<8xi32, #tpu.memory_space<hbm>>
        tpu.wait_dma2 semaphore(%run_scoped3A : memref<!tpu.dma_semaphore, #tpu.memory_space<semaphore_mem>>) src(%dma_wait3A_12 : memref<8xi32, #tpu.memory_space<hbm>>) dst(%arg5 : memref<8xi32, #tpu.memory_space<vmem>>)
        tpu.yield
      }) : () -> ()
      %dma_start3A = arith.constant 0 : i32
      %dma_start3A_5 = arith.constant 0 : i32
      %dma_start3A_6 = tpu.memref_slice %arg2[%dma_start3A, %dma_start3A_5] : memref<100000x128xf32, #tpu.memory_space<hbm>> -> memref<100000x128xf32, #tpu.memory_space<hbm>>
      tpu.enqueue_indirect_dma source(%dma_start3A_6 : memref<100000x128xf32, #tpu.memory_space<hbm>>) target(%arg6 : memref<8x128xf32, #tpu.memory_space<vmem>>) offsets(%arg5 : memref<8xi32, #tpu.memory_space<vmem>>) semaphore(%arg7 : memref<!tpu.dma_semaphore, #tpu.memory_space<semaphore_mem>>)
      %dma_wait3A = arith.constant 0 : i32
      %dma_wait3A_7 = arith.constant 0 : i32
      %dma_wait3A_8 = tpu.memref_slice %arg2[%dma_wait3A, %dma_wait3A_7] : memref<100000x128xf32, #tpu.memory_space<hbm>> -> memref<100000x128xf32, #tpu.memory_space<hbm>>
      tpu.wait_indirect_dma semaphore(%arg7 : memref<!tpu.dma_semaphore, #tpu.memory_space<semaphore_mem>>) src(%dma_wait3A_8 : memref<100000x128xf32, #tpu.memory_space<hbm>>) dst(%arg6 : memref<8x128xf32, #tpu.memory_space<vmem>>)
      "tpu.region"() ({
        %run_scoped3A = tpu.sem_alloc : memref<!tpu.dma_semaphore, #tpu.memory_space<semaphore_mem>>
        %dma_start3A_9 = arith.constant 0 : i32
        %dma_start3A_10 = tpu.memref_slice %arg4[%mul3A_4, %dma_start3A_9] : memref<64x128xf32, #tpu.memory_space<hbm>> -> memref<8x128xf32, #tpu.memory_space<hbm>>
        %dma_start3A_11 = arith.constant 0 : i32
        %dma_start3A_12 = tpu.memref_slice %arg4[%mul3A_4, %dma_start3A_11] : memref<64x128xf32, #tpu.memory_space<hbm>> -> memref<8x128xf32, #tpu.memory_space<hbm>>
        tpu.enqueue_dma source(%arg6 : memref<8x128xf32, #tpu.memory_space<vmem>>) target(%dma_start3A_12 : memref<8x128xf32, #tpu.memory_space<hbm>>) target_semaphore(%run_scoped3A : memref<!tpu.dma_semaphore, #tpu.memory_space<semaphore_mem>>)
        %dma_wait3A_13 = arith.constant 0 : i32
        %dma_wait3A_14 = tpu.memref_slice %arg4[%mul3A_4, %dma_wait3A_13] : memref<64x128xf32, #tpu.memory_space<hbm>> -> memref<8x128xf32, #tpu.memory_space<hbm>>
        %dma_wait3A_15 = arith.constant 0 : i32
        %dma_wait3A_16 = tpu.memref_slice %arg4[%mul3A_4, %dma_wait3A_15] : memref<64x128xf32, #tpu.memory_space<hbm>> -> memref<8x128xf32, #tpu.memory_space<hbm>>
        tpu.wait_dma2 semaphore(%run_scoped3A : memref<!tpu.dma_semaphore, #tpu.memory_space<semaphore_mem>>) src(%arg6 : memref<8x128xf32, #tpu.memory_space<vmem>>) dst(%dma_wait3A_16 : memref<8x128xf32, #tpu.memory_space<hbm>>)
        tpu.yield
      }) : () -> ()
    } else {
    }
    return
  }
}

module attributes {stable_mosaic.version = 14 : i64} {
  func.func @_gru_sample_body(%arg0: i32, %arg1: memref<64x128xf32, #tpu.memory_space<vmem>>, %arg2: memref<64x1024xf32, #tpu.memory_space<vmem>>, %arg3: memref<128x3072xf32, #tpu.memory_space<vmem>>, %arg4: memref<1024x3072xf32, #tpu.memory_space<vmem>>, %arg5: memref<1x3072xf32, #tpu.memory_space<vmem>>, %arg6: memref<4096x1024xf32, #tpu.memory_space<vmem>>, %arg7: memref<1x4096xf32, #tpu.memory_space<vmem>>, %arg8: memref<64x4096xf32, #tpu.memory_space<vmem>>, %arg9: memref<64x1xi32, #tpu.memory_space<vmem>>, %arg10: memref<64x1024xf32, #tpu.memory_space<vmem>>, %arg11: memref<64x1024xf32, #tpu.memory_space<vmem>>, %arg12: memref<64x1xf32, #tpu.memory_space<vmem>>, %arg13: memref<64x1xi32, #tpu.memory_space<vmem>>) attributes {dimension_semantics = [#tpu.dimension_semantics<arbitrary>], iteration_bounds = array<i64: 25>, scalar_prefetch = 0 : i64, scratch_operands = 3 : i64, tpu.core_type = #tpu.core_type<tc>, window_params = [{pipeline_mode = #tpu.pipeline_mode<synchronous>, transform_indices = @transform_0, window_bounds = array<i64: 64, 128>}, {pipeline_mode = #tpu.pipeline_mode<synchronous>, transform_indices = @transform_1, window_bounds = array<i64: 64, 1024>}, {pipeline_mode = #tpu.pipeline_mode<synchronous>, transform_indices = @transform_2, window_bounds = array<i64: 128, 3072>}, {pipeline_mode = #tpu.pipeline_mode<synchronous>, transform_indices = @transform_3, window_bounds = array<i64: 1024, 3072>}, {pipeline_mode = #tpu.pipeline_mode<synchronous>, transform_indices = @transform_4, window_bounds = array<i64: 1, 3072>}, {transform_indices = @transform_5, window_bounds = array<i64: 4096, 1024>}, {transform_indices = @transform_6, window_bounds = array<i64: 1, 4096>}, {transform_indices = @transform_7, window_bounds = array<i64: 64, 4096>}, {pipeline_mode = #tpu.pipeline_mode<synchronous>, transform_indices = @transform_8, window_bounds = array<i64: 64, 1>}, {pipeline_mode = #tpu.pipeline_mode<synchronous>, transform_indices = @transform_9, window_bounds = array<i64: 64, 1024>}]} {
    %eq3A = arith.constant 0 : i32
    %eq3A_0 = arith.cmpi eq, %arg0, %eq3A : i32
    %convert_element_type3A = arith.extui %eq3A_0 : i1 to i32
    %cond3A = arith.constant 0 : i32
    %cond3A_1 = arith.cmpi ne, %convert_element_type3A, %cond3A : i32
    scf.if %cond3A_1 {
      %get3A_51 = arith.constant 0 : index
      %get3A_52 = arith.constant 0 : index
      %get3A_53 = vector.load %arg1[%get3A_51, %get3A_52] : memref<64x128xf32, #tpu.memory_space<vmem>>, vector<64x128xf32>
      %get3A_54 = arith.constant 0 : index
      %get3A_55 = arith.constant 0 : index
      %get3A_56 = vector.load %arg3[%get3A_54, %get3A_55] : memref<128x3072xf32, #tpu.memory_space<vmem>>, vector<128x3072xf32>
      %dot_general3A_57 = arith.constant dense<0.000000e+00> : vector<64x3072xf32>
      %dot_general3A_58 = tpu.matmul %get3A_53, %get3A_56, %dot_general3A_57 {dimension_numbers = #tpu.dot_dimension_numbers<[1], [0], [0], [1], [0, 0, 1, 1], [], []>, transpose_lhs_hint = false} : vector<64x128xf32>, vector<128x3072xf32>, vector<64x3072xf32> -> vector<64x3072xf32>
      %get3A_59 = arith.constant 0 : index
      %get3A_60 = arith.constant 0 : index
      %get3A_61 = vector.load %arg5[%get3A_59, %get3A_60] : memref<1x3072xf32, #tpu.memory_space<vmem>>, vector<1x3072xf32>
      %add3A_62 = vector.broadcast %get3A_61 : vector<1x3072xf32> to vector<64x3072xf32>
      %add3A_63 = arith.addf %dot_general3A_58, %add3A_62 : vector<64x3072xf32>
      %get3A_64 = arith.constant 0 : index
      %get3A_65 = arith.constant 0 : index
      %get3A_66 = vector.load %arg2[%get3A_64, %get3A_65] : memref<64x1024xf32, #tpu.memory_space<vmem>>, vector<64x1024xf32>
      %get3A_67 = arith.constant 0 : index
      %get3A_68 = arith.constant 0 : index
      %get3A_69 = vector.load %arg4[%get3A_67, %get3A_68] : memref<1024x3072xf32, #tpu.memory_space<vmem>>, vector<1024x3072xf32>
      %dot_general3A_70 = arith.constant dense<0.000000e+00> : vector<64x3072xf32>
      %dot_general3A_71 = tpu.matmul %get3A_66, %get3A_69, %dot_general3A_70 {dimension_numbers = #tpu.dot_dimension_numbers<[1], [0], [0], [1], [0, 0, 1, 1], [], []>, transpose_lhs_hint = false} : vector<64x1024xf32>, vector<1024x3072xf32>, vector<64x3072xf32> -> vector<64x3072xf32>
      %slice3A = vector.extract_strided_slice %add3A_63 {offsets = [0, 0], sizes = [64, 1024], strides = [1, 1]} : vector<64x3072xf32> to vector<64x1024xf32>
      %slice3A_72 = vector.extract_strided_slice %dot_general3A_71 {offsets = [0, 0], sizes = [64, 1024], strides = [1, 1]} : vector<64x3072xf32> to vector<64x1024xf32>
      %add3A_73 = arith.addf %slice3A, %slice3A_72 : vector<64x1024xf32>
      %logistic3A = arith.negf %add3A_73 : vector<64x1024xf32>
      %logistic3A_74 = math.exp %logistic3A : vector<64x1024xf32>
      %logistic3A_75 = arith.constant 1.000000e+00 : f32
      %logistic3A_76 = vector.broadcast %logistic3A_75 : f32 to vector<64x1024xf32>
      %logistic3A_77 = arith.addf %logistic3A_76, %logistic3A_74 : vector<64x1024xf32>
      %logistic3A_78 = arith.divf %logistic3A_76, %logistic3A_77 : vector<64x1024xf32>
      %slice3A_79 = vector.extract_strided_slice %add3A_63 {offsets = [0, 1024], sizes = [64, 1024], strides = [1, 1]} : vector<64x3072xf32> to vector<64x1024xf32>
      %slice3A_80 = vector.extract_strided_slice %dot_general3A_71 {offsets = [0, 1024], sizes = [64, 1024], strides = [1, 1]} : vector<64x3072xf32> to vector<64x1024xf32>
      %add3A_81 = arith.addf %slice3A_79, %slice3A_80 : vector<64x1024xf32>
      %logistic3A_82 = arith.negf %add3A_81 : vector<64x1024xf32>
      %logistic3A_83 = math.exp %logistic3A_82 : vector<64x1024xf32>
      %logistic3A_84 = arith.constant 1.000000e+00 : f32
      %logistic3A_85 = vector.broadcast %logistic3A_84 : f32 to vector<64x1024xf32>
      %logistic3A_86 = arith.addf %logistic3A_85, %logistic3A_83 : vector<64x1024xf32>
      %logistic3A_87 = arith.divf %logistic3A_85, %logistic3A_86 : vector<64x1024xf32>
      %slice3A_88 = vector.extract_strided_slice %add3A_63 {offsets = [0, 2048], sizes = [64, 1024], strides = [1, 1]} : vector<64x3072xf32> to vector<64x1024xf32>
      %slice3A_89 = vector.extract_strided_slice %dot_general3A_71 {offsets = [0, 2048], sizes = [64, 1024], strides = [1, 1]} : vector<64x3072xf32> to vector<64x1024xf32>
      %mul3A_90 = arith.mulf %logistic3A_87, %slice3A_89 : vector<64x1024xf32>
      %add3A_91 = arith.addf %slice3A_88, %mul3A_90 : vector<64x1024xf32>
      %tanh3A = math.tanh %add3A_91 : vector<64x1024xf32>
      %get3A_92 = arith.constant 0 : index
      %get3A_93 = arith.constant 0 : index
      %get3A_94 = vector.load %arg2[%get3A_92, %get3A_93] : memref<64x1024xf32, #tpu.memory_space<vmem>>, vector<64x1024xf32>
      %mul3A_95 = arith.mulf %logistic3A_78, %get3A_94 : vector<64x1024xf32>
      %sub3A = arith.constant 1.000000e+00 : f32
      %sub3A_96 = vector.broadcast %sub3A : f32 to vector<64x1024xf32>
      %sub3A_97 = arith.subf %sub3A_96, %logistic3A_78 : vector<64x1024xf32>
      %mul3A_98 = arith.mulf %sub3A_97, %tanh3A : vector<64x1024xf32>
      %add3A_99 = arith.addf %mul3A_95, %mul3A_98 : vector<64x1024xf32>
      %swap3A_100 = arith.constant 0 : index
      %swap3A_101 = arith.constant 0 : index
      %swap3A_102 = vector.load %arg11[%swap3A_100, %swap3A_101] : memref<64x1024xf32, #tpu.memory_space<vmem>>, vector<64x1024xf32>
      tpu.vector_store %arg11[%swap3A_100, %swap3A_101], %add3A_99 {strides = array<i32>} : memref<64x1024xf32, #tpu.memory_space<vmem>>, vector<64x1024xf32>,
      %swap3A_103 = arith.constant 0 : index
      %swap3A_104 = arith.constant 0 : index
      %swap3A_105 = vector.load %arg10[%swap3A_103, %swap3A_104] : memref<64x1024xf32, #tpu.memory_space<vmem>>, vector<64x1024xf32>
      tpu.vector_store %arg10[%swap3A_103, %swap3A_104], %add3A_99 {strides = array<i32>} : memref<64x1024xf32, #tpu.memory_space<vmem>>, vector<64x1024xf32>,
      %broadcast_in_dim3A_106 = arith.constant 0xFF800000 : f32
      %broadcast_in_dim3A_107 = vector.broadcast %broadcast_in_dim3A_106 : f32 to vector<64x1xf32>
      %swap3A_108 = arith.constant 0 : index
      %swap3A_109 = arith.constant 0 : index
      %swap3A_110 = vector.load %arg12[%swap3A_108, %swap3A_109] : memref<64x1xf32, #tpu.memory_space<vmem>>, vector<64x1xf32>
      tpu.vector_store %arg12[%swap3A_108, %swap3A_109], %broadcast_in_dim3A_107 {strides = array<i32>} : memref<64x1xf32, #tpu.memory_space<vmem>>, vector<64x1xf32>,
      %broadcast_in_dim3A_111 = arith.constant 0 : i32
      %broadcast_in_dim3A_112 = vector.broadcast %broadcast_in_dim3A_111 : i32 to vector<64x1xi32>
      %swap3A_113 = arith.constant 0 : index
      %swap3A_114 = arith.constant 0 : index
      %swap3A_115 = vector.load %arg13[%swap3A_113, %swap3A_114] : memref<64x1xi32, #tpu.memory_space<vmem>>, vector<64x1xi32>
      tpu.vector_store %arg13[%swap3A_113, %swap3A_114], %broadcast_in_dim3A_112 {strides = array<i32>} : memref<64x1xi32, #tpu.memory_space<vmem>>, vector<64x1xi32>,
    } else {
    }
    %get3A = arith.constant 0 : index
    %get3A_2 = arith.constant 0 : index
    %get3A_3 = vector.load %arg11[%get3A, %get3A_2] : memref<64x1024xf32, #tpu.memory_space<vmem>>, vector<64x1024xf32>
    %get3A_4 = arith.constant 0 : index
    %get3A_5 = arith.constant 0 : index
    %get3A_6 = vector.load %arg6[%get3A_4, %get3A_5] : memref<4096x1024xf32, #tpu.memory_space<vmem>>, vector<4096x1024xf32>
    %dot_general3A = arith.constant dense<0.000000e+00> : vector<64x4096xf32>
    %dot_general3A_7 = tpu.matmul %get3A_3, %get3A_6, %dot_general3A {dimension_numbers = #tpu.dot_dimension_numbers<[1], [1], [0], [0], [0, 0, 1, 0], [], []>, transpose_lhs_hint = false} : vector<64x1024xf32>, vector<4096x1024xf32>, vector<64x4096xf32> -> vector<64x4096xf32>
    %get3A_8 = arith.constant 0 : index
    %get3A_9 = arith.constant 0 : index
    %get3A_10 = vector.load %arg7[%get3A_8, %get3A_9] : memref<1x4096xf32, #tpu.memory_space<vmem>>, vector<1x4096xf32>
    %add3A = vector.broadcast %get3A_10 : vector<1x4096xf32> to vector<64x4096xf32>
    %add3A_11 = arith.addf %dot_general3A_7, %add3A : vector<64x4096xf32>
    %get3A_12 = arith.constant 0 : index
    %get3A_13 = arith.constant 0 : index
    %get3A_14 = vector.load %arg8[%get3A_12, %get3A_13] : memref<64x4096xf32, #tpu.memory_space<vmem>>, vector<64x4096xf32>
    %add3A_15 = arith.addf %add3A_11, %get3A_14 : vector<64x4096xf32>
    %iota3A = tpu.iota {dimensions = array<i32: 1>} : vector<64x4096xi32>
    %mul3A = arith.constant 4096 : i32
    %mul3A_16 = arith.muli %arg0, %mul3A : i32
    %add3A_17 = vector.broadcast %mul3A_16 : i32 to vector<64x4096xi32>
    %add3A_18 = arith.addi %iota3A, %add3A_17 : vector<64x4096xi32>
    %lt3A = arith.constant 100000 : i32
    %lt3A_19 = vector.broadcast %lt3A : i32 to vector<64x4096xi32>
    %lt3A_20 = arith.cmpi slt, %add3A_18, %lt3A_19 : vector<64x4096xi32>
    %jit3A = arith.constant 0xFF800000 : f32
    %broadcast_in_dim3A = vector.broadcast %jit3A : f32 to vector<64x4096xf32>
    %select_n3A = arith.select %lt3A_20, %add3A_15, %broadcast_in_dim3A : vector<64x4096xi1>, vector<64x4096xf32>
    %reduce_max3A = arith.constant dense<0xFF800000> : vector<64xf32>
    %reduce_max3A_21 = vector.multi_reduction <maximumf>, %select_n3A, %reduce_max3A [1] : vector<64x4096xf32> to vector<64xf32>
    %broadcast_in_dim3A_22 = vector.shape_cast %reduce_max3A_21 : vector<64xf32> to vector<64x1xf32>
    %eq3A_23 = vector.broadcast %broadcast_in_dim3A_22 : vector<64x1xf32> to vector<64x4096xf32>
    %eq3A_24 = arith.cmpf oeq, %select_n3A, %eq3A_23 : vector<64x4096xf32>
    %jit3A_25 = arith.constant 100000 : i32
    %broadcast_in_dim3A_26 = vector.broadcast %jit3A_25 : i32 to vector<64x4096xi32>
    %select_n3A_27 = arith.select %eq3A_24, %add3A_18, %broadcast_in_dim3A_26 : vector<64x4096xi1>, vector<64x4096xi32>
    %reduce_min3A = arith.constant dense<2147483647> : vector<64xi32>
    %reduce_min3A_28 = vector.multi_reduction <minsi>, %select_n3A_27, %reduce_min3A [1] : vector<64x4096xi32> to vector<64xi32>
    %broadcast_in_dim3A_29 = vector.shape_cast %reduce_min3A_28 : vector<64xi32> to vector<64x1xi32>
    %get3A_30 = arith.constant 0 : index
    %get3A_31 = arith.constant 0 : index
    %get3A_32 = vector.load %arg12[%get3A_30, %get3A_31] : memref<64x1xf32, #tpu.memory_space<vmem>>, vector<64x1xf32>
    %gt3A = arith.cmpf ogt, %broadcast_in_dim3A_22, %get3A_32 : vector<64x1xf32>
    %get3A_33 = arith.constant 0 : index
    %get3A_34 = arith.constant 0 : index
    %get3A_35 = vector.load %arg12[%get3A_33, %get3A_34] : memref<64x1xf32, #tpu.memory_space<vmem>>, vector<64x1xf32>
    %select_n3A_36 = arith.select %gt3A, %broadcast_in_dim3A_22, %get3A_35 : vector<64x1xi1>, vector<64x1xf32>
    %get3A_37 = arith.constant 0 : index
    %get3A_38 = arith.constant 0 : index
    %get3A_39 = vector.load %arg13[%get3A_37, %get3A_38] : memref<64x1xi32, #tpu.memory_space<vmem>>, vector<64x1xi32>
    %select_n3A_40 = arith.select %gt3A, %broadcast_in_dim3A_29, %get3A_39 : vector<64x1xi1>, vector<64x1xi32>
    %swap3A = arith.constant 0 : index
    %swap3A_41 = arith.constant 0 : index
    %swap3A_42 = vector.load %arg12[%swap3A, %swap3A_41] : memref<64x1xf32, #tpu.memory_space<vmem>>, vector<64x1xf32>
    tpu.vector_store %arg12[%swap3A, %swap3A_41], %select_n3A_36 {strides = array<i32>} : memref<64x1xf32, #tpu.memory_space<vmem>>, vector<64x1xf32>,
    %swap3A_43 = arith.constant 0 : index
    %swap3A_44 = arith.constant 0 : index
    %swap3A_45 = vector.load %arg13[%swap3A_43, %swap3A_44] : memref<64x1xi32, #tpu.memory_space<vmem>>, vector<64x1xi32>
    tpu.vector_store %arg13[%swap3A_43, %swap3A_44], %select_n3A_40 {strides = array<i32>} : memref<64x1xi32, #tpu.memory_space<vmem>>, vector<64x1xi32>,
    %eq3A_46 = arith.constant 24 : i32
    %eq3A_47 = arith.cmpi eq, %arg0, %eq3A_46 : i32
    %convert_element_type3A_48 = arith.extui %eq3A_47 : i1 to i32
    %cond3A_49 = arith.constant 0 : i32
    %cond3A_50 = arith.cmpi ne, %convert_element_type3A_48, %cond3A_49 : i32
    scf.if %cond3A_50 {
      %swap3A_51 = arith.constant 0 : index
      %swap3A_52 = arith.constant 0 : index
      %swap3A_53 = vector.load %arg9[%swap3A_51, %swap3A_52] : memref<64x1xi32, #tpu.memory_space<vmem>>, vector<64x1xi32>
      tpu.vector_store %arg9[%swap3A_51, %swap3A_52], %select_n3A_40 {strides = array<i32>} : memref<64x1xi32, #tpu.memory_space<vmem>>, vector<64x1xi32>,
    } else {
    }
    return
  }
  func.func @transform_0(%arg0: i32) -> (i32, i32) {
    %c0_i32 = arith.constant 0 : i32
    %c0_i32_0 = arith.constant 0 : i32
    %c0_i32_1 = arith.constant 0 : i32
    return %c0_i32, %c0_i32_0 : i32, i32
  }
  func.func @transform_1(%arg0: i32) -> (i32, i32) {
    %c0_i32 = arith.constant 0 : i32
    %c0_i32_0 = arith.constant 0 : i32
    %c0_i32_1 = arith.constant 0 : i32
    return %c0_i32, %c0_i32_0 : i32, i32
  }
  func.func @transform_2(%arg0: i32) -> (i32, i32) {
    %c0_i32 = arith.constant 0 : i32
    %c0_i32_0 = arith.constant 0 : i32
    %c0_i32_1 = arith.constant 0 : i32
    return %c0_i32, %c0_i32_0 : i32, i32
  }
  func.func @transform_3(%arg0: i32) -> (i32, i32) {
    %c0_i32 = arith.constant 0 : i32
    %c0_i32_0 = arith.constant 0 : i32
    %c0_i32_1 = arith.constant 0 : i32
    return %c0_i32, %c0_i32_0 : i32, i32
  }
  func.func @transform_4(%arg0: i32) -> (i32, i32) {
    %c0_i32 = arith.constant 0 : i32
    %c0_i32_0 = arith.constant 0 : i32
    %c0_i32_1 = arith.constant 0 : i32
    return %c0_i32, %c0_i32_0 : i32, i32
  }
  func.func @transform_5(%arg0: i32) -> (i32, i32) {
    %c0_i32 = arith.constant 0 : i32
    %c0_i32_0 = arith.constant 0 : i32
    return %arg0, %c0_i32 : i32, i32
  }
  func.func @transform_6(%arg0: i32) -> (i32, i32) {
    %c0_i32 = arith.constant 0 : i32
    %c0_i32_0 = arith.constant 0 : i32
    return %c0_i32, %arg0 : i32, i32
  }
  func.func @transform_7(%arg0: i32) -> (i32, i32) {
    %c0_i32 = arith.constant 0 : i32
    %c0_i32_0 = arith.constant 0 : i32
    return %c0_i32, %arg0 : i32, i32
  }
  func.func @transform_8(%arg0: i32) -> (i32, i32) {
    %c0_i32 = arith.constant 0 : i32
    %c0_i32_0 = arith.constant 0 : i32
    %c0_i32_1 = arith.constant 0 : i32
    return %c0_i32, %c0_i32_0 : i32, i32
  }
  func.func @transform_9(%arg0: i32) -> (i32, i32) {
    %c0_i32 = arith.constant 0 : i32
    %c0_i32_0 = arith.constant 0 : i32
    %c0_i32_1 = arith.constant 0 : i32
    return %c0_i32, %c0_i32_0 : i32, i32
  }
}

</mosaic_0001>

<sc_bundles>
// kernel: kernel.4.cloned.1.call-start
scs
__scs_entry_jumppad:
0x0: {  	(pc) =	sbr.rel $0x88, $3  }
0x1: {  	(tag) =	ssettag $0x0;
	lr =	simm.s32 $0x1  }
0x2: {  	[smem:$0x3F99] =	sst lr;
	_ =	strace $0xD0000000  }
0x3: {  	_ = 	snop  }
0x4: {  	_ = 	snop  }
0x5: {  	_ = 	snop  }
0x6: {  	_ = 	snop  }
0x7: {  	_ = 	snop  }
__scs_overlays_trampoline_lowered:
0x8: {  	[smem:$0x3FA8] =	sst s0  }
0x9: {  	[smem:$0x3FA9] =	sst s1  }
0xa: {  	[smem:$0x3FAA] =	sst s2  }
0xb: {  	[smem:$0x3FAB] =	sst s3  }
0xc: {  	[smem:$0x3FAC] =	sst s4  }
0xd: {  	[smem:$0x3FAD] =	sst s5  }
0xe: {  	[smem:$0x3FAE] =	sst s6  }
0xf: {  	[smem:$0x3FAF] =	sst s7  }
0x10: {  	[smem:$0x3FB0] =	sst s8  }
0x11: {  	[smem:$0x3FB1] =	sst s9;
	s0 =	simm.s32 @!p0 $0x0  }
0x12: {  	s1 =	sld [smem:$0x3F97];
	s0 =	simm.s32 @p0 $0x1  }
0x13: {  	[smem:$0x3FB2] =	sst s0;
	s0 =	simm.s32 @!p1 $0x0  }
0x14: {  	s2 =	sld [smem:$0x3F96];
	s0 =	simm.s32 @p1 $0x1  }
0x15: {  	[smem:$0x3FB3] =	sst s0;
	s0 =	simm.s32 @!p2 $0x0  }
0x16: {  	s3 =	sld [smem:$0x3FDB];
	s0 =	simm.s32 @p2 $0x1  }
0x17: {  	s4 =	simm.s32 $0x1BF5;
	[smem:$0x3FB5] =	sst s0  }
0x18: {  	s0 =	sld [smem:$0x3F98];
	_ =	swait.ge [sflag:s4], $0x0  }
0x19: {  	s7 =	sld [smem:$0x3F99]  }
0x1a: {  	s8 =	sadd.s32 $0xFFFFE003, lr  }
0x1b: {  	s9 =	sadd.s32 $0xFFFFFEF7, lr;
	s5 =	simm.s32 $0xFFFFFFFF;
	p2 =	slt.u32 s8, $0xFFFFF086  }
0x1c: {  	p1 =	slt.u32 s9, $0xF7A;
	s5 =	simm.s32 @!p2 $0x0  }
0x1d: {  	s5 =	simm.s32 @p1 $0x1;
	p0 =	seq.s32 s7, s2  }
0x1e: {  	s7 =	smul.u32 @!p0 $0xF7A, s2;
	p2 =	seq.s32 @!p0 s5, $0x0  }
0x1f: {  	s9 =	smul.u32 $0xF7A, s1;
	s8 =	simm.s32 @!p0 $0x1BF5;
	p2 =	por !p2, p0  }
0x20: {  	[sflag:s8] =	ssyncset.s32 @!p0 $0xFFFFF086;
	s6 =	sadd.s32 @!p0 s3, s7;
	s7 =	simm.s32 @!p0 $0x108  }
0x21: {  	s3 =	sadd.s32 s3, s9;
	s6 =	sadd.s32 @!p0 $0x88, s6;
	s7 =	simm.s32 @p2 $0x1082  }
0x22: {  	[simem:s7], [sflag:s8] =	dma.local @!p0 [hbm:s6], $0xF7A  }
0x23: {  	s9 =	sor.u32 $0xD0000000, s2;
	s6 =	simm.s32 $0x108;
	_ =	swait.ge @!p0 [sflag:s8], $0x0  }
0x24: {  	s3 =	sadd.s32 $0x88, s3;
	s6 =	simm.s32 @!p1 $0x1082;
	[sflag:s4] =	ssyncset.s32 $0xFFFFF086  }
0x25: {  	[simem:s6], [sflag:s4] =	dma.local [hbm:s3], $0xF7A  }
0x26: {  	[smem:$0x3F99] =	sst s1;
	(tag) =	ssettag s2;
	_ =	strace s9  }
0x27: {  	s1 =	sld [smem:$0x3FA9]  }
0x28: {  	s2 =	sld [smem:$0x3FAA]  }
0x29: {  	s4 =	sld [smem:$0x3FAC]  }
0x2a: {  	p0 =	seq.s32 s5, $0x0;
	s5 =	sld [smem:$0x3FAD]  }
0x2b: {  	s6 =	sld [smem:$0x3FAE]  }
0x2c: {  	s7 =	sld [smem:$0x3FAF]  }
0x2d: {  	s3 =	simm.s32 $0x108;
	s8 =	sld [smem:$0x3FB0]  }
0x2e: {  	s3 =	simm.s32 @!p0 $0x1082;
	s9 =	sld [smem:$0x3FB1]  }
0x2f: {  	lr =	sadd.s32 s0, s3;
	s0 =	sld [smem:$0x3FA8]  }
0x30: {  	s3 =	sld [smem:$0x3FAB]  }
0x31: {  	[smem:$0x3FB4] =	sst s10  }
0x32: {  	s10 =	sld [smem:$0x3FB2];
	_ =	sdelay $0x3  }
0x33: {  	p0 =	seq.s32 s10, $0x1;
	s10 =	sld [smem:$0x3FB4];
	_ =	sdelay $0x3  }
0x34: {  	[smem:$0x3FB4] =	sst s10  }
0x35: {  	s10 =	sld [smem:$0x3FB3];
	_ =	sdelay $0x3  }
0x36: {  	p1 =	seq.s32 s10, $0x1;
	s10 =	sld [smem:$0x3FB4];
	_ =	sdelay $0x3  }
0x37: {  	[smem:$0x3FB4] =	sst s10  }
0x38: {  	s10 =	sld [smem:$0x3FB5]  }
0x39: {  	_ = 	snop;
	(pc) =	sbr.ind lr, $3  }
0x3a: {  	_ = 	snop  }
0x3b: {  	_ = 	snop  }
0x3c: {  	p2 =	seq.s32 s10, $0x1;
	s10 =	sld [smem:$0x3FB4]  }
0x3d: {  	_ =	shalt  }
0x3e: {  	_ =	shalt  }
0x3f: {  	_ =	shalt  }
0x40: {  	_ =	shalt  }
0x41: {  	_ =	shalt  }
0x42: {  	_ =	shalt  }
0x43: {  	_ =	shalt  }
0x44: {  	_ =	shalt  }
0x45: {  	_ =	shalt  }
0x46: {  	_ =	shalt  }
0x47: {  	_ =	shalt  }
0x48: {  	_ =	shalt  }
0x49: {  	_ =	shalt  }
0x4a: {  	_ =	shalt  }
0x4b: {  	_ =	shalt  }
0x4c: {  	_ =	shalt  }
0x4d: {  	_ =	shalt  }
0x4e: {  	_ =	shalt  }
0x4f: {  	_ =	shalt  }
0x50: {  	_ =	shalt  }
0x51: {  	_ =	shalt  }
0x52: {  	_ =	shalt  }
0x53: {  	_ =	shalt  }
0x54: {  	_ =	shalt  }
0x55: {  	_ =	shalt  }
0x56: {  	_ =	shalt  }
0x57: {  	_ =	shalt  }
0x58: {  	_ =	shalt  }
0x59: {  	_ =	shalt  }
0x5a: {  	_ =	shalt  }
0x5b: {  	_ =	shalt  }
0x5c: {  	_ =	shalt  }
0x5d: {  	_ =	shalt  }
0x5e: {  	_ =	shalt  }
0x5f: {  	_ =	shalt  }
0x60: {  	_ =	shalt  }
0x61: {  	_ =	shalt  }
0x62: {  	_ =	shalt  }
0x63: {  	_ =	shalt  }
0x64: {  	_ =	shalt  }
0x65: {  	_ =	shalt  }
0x66: {  	_ =	shalt  }
0x67: {  	_ =	shalt  }
0x68: {  	_ =	shalt  }
0x69: {  	_ =	shalt  }
0x6a: {  	_ =	shalt  }
0x6b: {  	_ =	shalt  }
0x6c: {  	_ =	shalt  }
0x6d: {  	_ =	shalt  }
0x6e: {  	_ =	shalt  }
0x6f: {  	_ =	shalt  }
0x70: {  	_ =	shalt  }
0x71: {  	_ =	shalt  }
0x72: {  	_ =	shalt  }
0x73: {  	_ =	shalt  }
0x74: {  	_ =	shalt  }
0x75: {  	_ =	shalt  }
0x76: {  	_ =	shalt  }
0x77: {  	_ =	shalt  }
0x78: {  	_ =	shalt  }
0x79: {  	_ =	shalt  }
0x7a: {  	_ =	shalt  }
0x7b: {  	_ =	shalt  }
0x7c: {  	_ =	shalt  }
0x7d: {  	_ =	shalt  }
0x7e: {  	_ =	shalt  }
0x7f: {  	_ =	shalt  }
0x80: {  	_ =	shalt  }
0x81: {  	_ =	shalt  }
0x82: {  	_ =	shalt  }
0x83: {  	_ =	shalt  }
0x84: {  	_ =	shalt  }
0x85: {  	_ =	shalt  }
0x86: {  	_ =	shalt  }
0x87: {  	_ =	shalt  }
.Lfunc_end0:
.L_simem_size_0:
called_computation_lowered:
.L_overlay_start_0:
0x88: {  	s2 =	sld [smem:$0x3FD9]  }
0x89: {  	s3 =	sld [smem:$0x3FFE];
	_ =	sdelay $0x1  }
0x8a: {  	s1 =	srdreg.scid  }
0x8b: {  	s0 =	sand.u32 $0x1, s1  }
0x8c: {  	s17 =	sshll.u32 s0, $0xA;
	s2 =	sadd.s32 s3, s2  }
0x8d: {  	s2 =	sadd.s32 s2, s17  }
0x8e: {  	[smem:$0x3FC0] =	sst s2  }
0x8f: {  	_ = 	snop  }
0x90: {  	s2 =	sld [smem:$0x3FC9]  }
0x91: {  	s18 =	sld [smem:$0x3FC7];
	(tm) =	ssettm $0x1  }
0x92: {  	s4 =	sld [smem:$0x3FFB];
	_ =	sdelay $0x3  }
0x93: {  	_ =	strace s4  }
0x94: {  	s4 =	sld [smem:$0x3FFC];
	_ =	sdelay $0x3  }
0x95: {  	_ =	strace s4  }
0x96: {  	s4 =	sld [smem:$0x3FFD];
	_ =	sdelay $0x3  }
0x97: {  	_ =	strace s4  }
0x98: {  	_ =	strace $0x8FFFFFFF  }
0x99: {  	s19 =	sld [smem:$0x3FDB];
	_ =	sdelay $0x1  }
0x9a: {  	s5 =	simm.s32 $_scs_section_size  }
0x9b: {  	s6 =	simm.s32 $_size__tile_overlayer_lowered;
	s7 =	simm.s32 $_tile_overlayer_lowered  }
0x9c: {  	s22 =	simm.s32 $0x1BFF;
	s21 =	sshll.u32 s7, $0x1;
	s4 =	sadd.s32 s5, s19  }
0x9d: {  	s8 =	simm.s32 $0x0;
	s20 =	sshll.u32 s6, $0x1;
	s6 =	sadd.s32 s21, s4  }
0x9e: {  	[timem:s8], [sflag:s22] =	dma.local [hbm:s6], s20  }
0x9f: {  	_ =	swait.ge [sflag:s22], s20  }
0xa0: {  	s5 =	ssub.s32 $0x0, s20;
	[sflag:s22] =	ssyncset.done $0x0  }
0xa1: {  	[sflag:s22] =	ssyncadd.s32 s5;
	_ =	sdelay $0x1  }
0xa2: {  	s23 =	simm.s32 $0x1B8B  }
0xa3: {  	_ =	swait.ge [sflag:s23], $0x1  }
0xa4: {  	[sflag:s23] =	ssyncset.done $0x0  }
0xa5: {  	s25 =	simm.s32 $0x1B8E;
	s24 =	sld [smem:$0x3FFE];
	[sflag:s23] =	ssyncadd.s32 $0xFFFFFFFF  }
0xa6: {  	s26 =	simm.s32 $execute0_lowered;
	[smem:$0x3FD2] =	sst s25  }
0xa7: {  	s6 =	sshll.u32 s26, $0x1;
	_ =	strace $0x80000046;
	[dreg:$0x1] =	wrdreg $0xFFFFFFFF  }
0xa8: {  	s28 =	simm.s32 $_size_execute0_lowered;
	s4 =	sadd.s32 s4, s6;
	[dreg:$0x0] =	wrdreg $0x0  }
0xa9: {  	s6 =	sshll.u32 s28, $0x1;
	[dreg:$0x2] =	wrdreg s4  }
0xaa: {  	[dreg:$0x3] =	wrdreg s6  }
0xab: {  	[dreg:$0x4] =	wrdreg $0xC0  }
0xac: {  	_ =	task [dreg:s8], $0x5FFFF  }
0xad: {  	[dreg:$0x1] =	wrdreg $0xFFFFFFFF  }
0xae: {  	[dreg:$0x0] =	wrdreg $0x60  }
0xaf: {  	[dreg:$0x2] =	wrdreg s18  }
0xb0: {  	[dreg:$0x3] =	wrdreg s2  }
0xb1: {  	[dreg:$0x4] =	wrdreg s24  }
0xb2: {  	[dreg:$0x5] =	wrdreg $0x9  }
0xb3: {  	_ =	task.clear_ibuf [dreg:s8], $0x6FFFF;
	_ =	strace $0x90000046  }
0xb4: {  	s29 =	simm.s32 $0x9;
	_ =	strace $0x80000048  }
0xb5: {  	_ =	swait.ge [sflag:s29], $0x1  }
0xb6: {  	[sflag:s29] =	ssyncadd.s32 $0xFFFFFFFF  }
0xb7: {  	_ =	strace $0x90000048  }
0xb8: {  	_ =	sfence  }
0xb9: {  	s30 =	sld [smem:$0x0];
	_ =	sdelay $0x2  }
0xba: {  	s31 =	sshll.u32 s1, $0xD;
	s1 =	sshrl.u32 s1, $0x2  }
0xbb: {  	s3 =	sand.u32 $0x4000, s31;
	s1 =	sadd.s32 s1, s30  }
0xbc: {  	s0 =	sor.u32 s3, s0;
	s1 =	sshll.u32 s1, $0x11  }
0xbd: {  	s0 =	sor.u32 s1, s0  }
0xbe: {  	s0 =	sadd.s32 $0x8F2B, s0  }
0xbf: {  	[sflag:s0] =	ssyncadd.remote.s32 $0x1  }
0xc0: {  	_ =	sfence.sel $0xFFFF  }
0xc1: {  	[dreg:$0x0] =	wrdreg $0xFFFFFFFF;
	(pc) =	sbr.abs _section_cstart, $3  }
0xc2: {  	[dreg:$0x1] =	wrdreg $0xFFFFFFFF  }
0xc3: {  	_ =	task.clear_ibuf [dreg:s8], $0x2FFFF;
	_ =	strace $0x9FFFFFFF  }
0xc4: {  	(tm) =	ssettm $0x7FFFFFFF  }
0xc5: {  	_ =	shalt  }
tec
execute0_lowered:
.L_overlay_start_1:
0x0: {  	(tag) =	ssettag $0x1  }
0x1: {  	s1 =	stileid.u32  }
0x2: {  	p0 =	sgt.u32 s1, $0x3  }
.Ltmp0:
0x3: {  	s2 =	rddreg [dreg:$0x0];
	(pc) =	sbr.rel @p0 .LBB2_4-.Ltmp0, $4  }
0x4: {  	s4 =	rddreg [dreg:$0x1]  }
0x5: {  	s9 =	rddreg [dreg:$0x2];
	s3 =	simm.s32 $0x0  }
0x6: {  	[smem:$0x7FF] =	sst s3  }
0x7: {  	s0 =	rddreg [dreg:$0x3];
	_ =	strace $0x80000047  }
0x8: {  	s5 =	srdreg.scid  }
0x9: {  	s30 =	sshll.u32 s1, $0x1;
	s6 =	sand.u32 $0x1, s5  }
0xa: {  	s7 =	simm.s32 $0x80;
	s8 =	simm.s32 $0x1;
	s10 =	sor.u32 s6, s30  }
0xb: {  	s11 =	ssub.s32 $0x2, s6;
	s5 =	sadd.s32 s4, s10;
	s4 =	simm.s32 $0x2  }
0xc: {  	[tilespmem:s3], [sflag:$0x2] =	stream.linear.gather [hbm4b:s5+s3], $0x8, $0x38;
	[tilespmem:$0x480] =	vst v63  }
0xd: {  	s6 =	simm.s32 $0x8;
	s12 =	sshrl.u32 s11, $0x1;
	_ =	swait.ge [sflag:s4], $0x8  }
0xe: {  	s10 =	sshll.u32 s10, $0x7;
	s31 =	ssub.s32 s11, s12;
	[sflag:s4] =	ssyncset.done $0x0  }
0xf: {  	s9 =	sadd.s32 s10, s9;
	s10 =	smax.u32 s31, $0x1;
	[sflag:s4] =	ssyncadd.s32 $0xFFFFFFF8  }
0x10: {  	[tilespmem:s7], [sflag:$0x1] =	stream.indirect.gather [hbm4b:s2+s6], $0x80, s3, s6, $0xb8;
	[tilespmem:$0x480] =	vst v63  }
0x11: {  	p0 =	sne.s32 s10, $0x1;
	_ =	swait.ge [sflag:s8], $0x400  }
.Ltmp1:
0x12: {  	[sflag:s8] =	ssyncset.done $0x0;
	(pc) =	sbr.rel @!p0 .LBB2_3-.Ltmp1, $4  }
0x13: {  	s9 =	sadd.s32 $0x600, s9;
	[sflag:s8] =	ssyncadd.s32 $0xFFFFFC00  }
0x14: {  	[hbm4b:s9+s3] =	stream.linear.scatter [tilespmem:s7], [sflag:$0x2], $0x400, $0x38;
	[tilespmem:$0x480] =	vst v63  }
0x15: {  	_ =	swait.ge [sflag:s4], $0x400  }
0x16: {  	s10 =	sadd.s32 $0xFFFFFFFF, s10;
	[sflag:s4] =	ssyncset.done $0x0  }
.LBB2_2:
0x17: {  	p0 =	sne.s32 s10, $0x1;
	s10 =	sadd.s32 $0xFFFFFFFF, s10;
	[sflag:s4] =	ssyncadd.s32 $0xFFFFFC00  }
0x18: {  	[tilespmem:s3], [sflag:$0x2] =	stream.linear.gather [hbm4b:s5+s3], $0x8, $0x38;
	[tilespmem:$0x480] =	vst v63  }
0x19: {  	_ =	swait.ge [sflag:s4], $0x8  }
0x1a: {  	[sflag:s4] =	ssyncset.done $0x0  }
0x1b: {  	[sflag:s4] =	ssyncadd.s32 $0xFFFFFFF8  }
0x1c: {  	[tilespmem:s7], [sflag:$0x1] =	stream.indirect.gather [hbm4b:s2+s6], $0x80, s3, s6, $0xb8;
	[tilespmem:$0x480] =	vst v63  }
0x1d: {  	_ =	swait.ge [sflag:s8], $0x400  }
.Ltmp2:
0x1e: {  	[sflag:s8] =	ssyncset.done $0x0;
	(pc) =	sbr.rel @p0 .LBB2_2-.Ltmp2, $4  }
0x1f: {  	[sflag:s8] =	ssyncadd.s32 $0xFFFFFC00  }
0x20: {  	[hbm4b:s9+s3] =	stream.linear.scatter [tilespmem:s7], [sflag:$0x2], $0x400, $0x38;
	[tilespmem:$0x480] =	vst v63  }
0x21: {  	_ =	swait.ge [sflag:s4], $0x400  }
0x22: {  	[sflag:s4] =	ssyncset.done $0x0  }
.LBB2_3:
0x23: {  	[sflag:s4] =	ssyncadd.s32 $0xFFFFFC00  }
.LBB2_4:
0x24: {  	_ =	sfence.sel $0x180000  }
0x25: {  	[bflag:$0x0] =	sbarrier.arrive $0xFFFF  }
0x26: {  	p0 =	sne.s32 s1, $0x0;
	_ =	strace $0x90000047  }
0x27: {  	s0 =	sadd.s32 @!p0 $0x100000, s0;
	[bflag:$0x2] =	sbarrier.arrive $0xFFFF  }
0x28: {  	[sflag:s0] =	ssyncadd.tile.s32 @!p0 $0x1;
	_ =	shalt  }
.Lfunc_end2:
_tile_overlayer_lowered:
.L_overlay_start_2:
0x29: {  	(tag) =	ssettag $0x2  }
0x2a: {  	s0 =	rddreg [dreg:$0x0];
	s2 =	stileid.u32  }
0x2b: {  	s1 =	rddreg [dreg:$0x1];
	p0 =	sne.s32 s2, $0x0  }
0x2c: {  	s3 =	rddreg [dreg:$0x2];
	[bflag:$0x3] =	sbarrier.arrive $0xFFFF;
	s2 =	simm.s32 @!p0 $0x1C02  }
0x2d: {  	[timem:s3], [sflag:s2] =	dma.local @!p0 [hbm:s0], s1  }
0x2e: {  	s0 =	simm.s32 @!p0 $0x2  }
0x2f: {  	_ =	swait.ge @!p0 [sflag:s0], s1  }
0x30: {  	s1 =	ssub.s32 @!p0 $0x0, s1;
	[sflag:s0] =	ssyncset.done @!p0 $0x0  }
0x31: {  	[sflag:s0] =	ssyncadd.s32 @!p0 s1  }
0x32: {  	[bflag:$0x3] =	sbarrier.arrive $0xFFFF  }
0x33: {  	_ =	shalt  }

</sc_bundles>
